<compile_context>
chip_gen: v7x
topology: tpu7x:2x2x1
jax: 0.10.2.dev20260603
libtpu: 0.0.44.dev20260713+nightly
codegen_flags: <defaults>
</compile_context>

<pallas_src>
import functools

import jax
import jax.numpy as jnp
from jax import lax
from jax.experimental import pallas as pl
from jax.experimental.pallas import tpu as pltpu
from jax.experimental.pallas import tpu_sc as plsc

G = 104


def kernel(input_feature, table):
    B, N, L = input_feature.shape
    V, D = table.shape
    T = B * N * L

    info = plsc.get_sparse_core_info()
    NW = info.num_cores * info.num_subcores
    per_w = T // NW
    n_g = per_w // G
    assert per_w * NW == T and n_g * G == per_w

    TBS = 512
    n_blk = pl.cdiv(V, 2 * TBS)
    H = n_blk * TBS

    def tpose_body(a_ref, b_ref, o_ref):
        a = a_ref[...]
        b = b_ref[...]
        o_ref[...] = jnp.concatenate(
            [jnp.transpose(a), jnp.transpose(b)], axis=1
        )

    table_z = pl.pallas_call(
        tpose_body,
        grid=(n_blk,),
        in_specs=[
            pl.BlockSpec((D, TBS), lambda i: (0, i)),
            pl.BlockSpec((D, TBS), lambda i: (0, i + n_blk)),
        ],
        out_specs=pl.BlockSpec((TBS, 2 * D), lambda i: (i, 0)),
        out_shape=jax.ShapeDtypeStruct((H, 2 * D), jnp.float32),
    )(jnp.transpose(table), jnp.transpose(table))
    table_lin = table_z.reshape(2 * H, D)

    idx0 = input_feature.reshape(-1).astype(jnp.int32)
    idx = jnp.where(idx0 < H, idx0 * 2, idx0 * 2 - (2 * H - 1))

    mesh = plsc.VectorSubcoreMesh(core_axis_name="c", subcore_axis_name="s")

    g_per_b = (N * L) // G
    b_per_w = B // NW

    def emb(idx_hbm, table_hbm, out_hbm, idx_v, buf0, buf1, sem0, sem1):
        wid = lax.axis_index("s") * info.num_cores + lax.axis_index("c")
        base = wid * per_w
        b_base = wid * b_per_w
        pltpu.sync_copy(idx_hbm.at[pl.ds(base, per_w)], idx_v)
        bufs = (buf0, buf1)
        sems = (sem0, sem1)

        pltpu.async_copy(table_hbm.at[idx_v.at[pl.ds(0, G)]], buf0, sem0)

        def body(o, carry):
            for b in range(2):
                g = o * 2 + b
                nxt = g + 1

                @pl.when(nxt < n_g)
                def _():
                    pltpu.async_copy(
                        table_hbm.at[idx_v.at[pl.ds(nxt * G, G)]],
                        bufs[1 - b],
                        sems[1 - b],
                    )

                pltpu.make_async_copy(
                    table_hbm.at[idx_v.at[pl.ds(g * G, G)]], bufs[b], sems[b]
                ).wait()
                pltpu.sync_copy(
                    bufs[b],
                    out_hbm.at[b_base + g // g_per_b, pl.ds((g % g_per_b) * G, G)],
                )
            return carry

        lax.fori_loop(0, n_g // 2, body, 0)

    emb = functools.partial(
        pl.kernel,
        mesh=mesh,
        out_type=jax.ShapeDtypeStruct((B, N * L, D), jnp.float32),
        scratch_types=[
            pltpu.VMEM((per_w,), jnp.int32),
            pltpu.VMEM((G, D), jnp.float32),
            pltpu.VMEM((G, D), jnp.float32),
            pltpu.SemaphoreType.DMA,
            pltpu.SemaphoreType.DMA,
        ],
        compiler_params=pltpu.CompilerParams(use_tc_tiling_on_sc=False),
    )(emb)

    out = emb(idx, table_lin)
    return out.reshape(B, N, L, D)

# --- scband reference (transcript-rebuilt; emitter-appended) ---
"""Pipeline reference for scband-embedding-64793876627953 (READ-ONLY COPY).

The authoritative reference and input builder live on the scoring server;
editing this copy changes nothing except your own understanding.
"""

import jax, jax.numpy as jnp
import numpy as np

VOCAB = 1000000
EMBED_DIM = 64
B, N, L = 1024, 26, 20

def setup_inputs(seed: int = 0) -> dict:
    key = jax.random.key(seed)
    k_idx, k_tab = jax.random.split(key)
    input_feature = jax.random.randint(k_idx, (B, N, L), 0, VOCAB, dtype=jnp.int64 if jax.config.jax_enable_x64 else jnp.int32)
    # nn.Embedding default init: N(0, 1)
    table = jax.random.normal(k_tab, (VOCAB, EMBED_DIM), dtype=jnp.float32)
    return {"input_feature": input_feature, "table": table}

def reference(input_feature, table):
    # embedding lookup: [B, N, L] -> [B, N, L, D]
    embed_vector = jnp.take(table, input_feature, axis=0)
    # dropout with p=0.0 is the identity
    return embed_vector

if __name__ == "__main__":
    import jax
    _d = setup_inputs()
    print(jax.jit(kernel)(*tuple(_d.values())))

</pallas_src>

<mosaic_0001>
#map = affine_map<(d0, d1) -> (0)>
#map1 = affine_map<(d0, d1) -> (0, 0)>
#map2 = affine_map<(d0, d1) -> (0, 0, 0)>
module attributes {stable_mosaic.version = 14 : i64} {
  func.func @emb(%arg0: i32, %arg1: i32, %arg2: memref<532480xi32, #tpu.memory_space<hbm>>, %arg3: memref<1000448x64xf32, #tpu.memory_space<hbm>>, %arg4: memref<1024x520x64xf32, #tpu.memory_space<hbm>>, %arg5: memref<16640xi32, #tpu.memory_space<vmem>>, %arg6: memref<104x64xf32, #tpu.memory_space<vmem>>, %arg7: memref<104x64xf32, #tpu.memory_space<vmem>>, %arg8: memref<!tpu.dma_semaphore, #tpu.memory_space<semaphore_mem>>, %arg9: memref<!tpu.dma_semaphore, #tpu.memory_space<semaphore_mem>>) attributes {dimension_semantics = [#tpu.dimension_semantics<core_parallel>, #tpu.dimension_semantics<subcore_parallel>], iteration_bounds = array<i64: 2, 16>, scalar_prefetch = 0 : i64, scratch_operands = 5 : i64, tpu.core_type = #tpu.core_type<sc_vector_subcore>, window_params = [{transform_indices = #map}, {transform_indices = #map1}, {transform_indices = #map2}]} {
    %mul3A = arith.constant 2 : i32
    %mul3A_0 = arith.muli %arg1, %mul3A : i32
    %add3A = arith.addi %mul3A_0, %arg0 : i32
    %mul3A_1 = arith.constant 16640 : i32
    %mul3A_2 = arith.muli %add3A, %mul3A_1 : i32
    %mul3A_3 = arith.constant 32 : i32
    %mul3A_4 = arith.muli %add3A, %mul3A_3 : i32
    "tpu.region"() ({
      %run_scoped3A = tpu.sem_alloc : memref<!tpu.dma_semaphore, #tpu.memory_space<semaphore_mem>>
      %dma_start3A_14 = tpu.memref_slice %arg2[%mul3A_2] : memref<532480xi32, #tpu.memory_space<hbm>> -> memref<16640xi32, #tpu.memory_space<hbm>>
      %dma_start3A_15 = tpu.memref_slice %arg2[%mul3A_2] : memref<532480xi32, #tpu.memory_space<hbm>> -> memref<16640xi32, #tpu.memory_space<hbm>>
      tpu.enqueue_dma source(%dma_start3A_15 : memref<16640xi32, #tpu.memory_space<hbm>>) target(%arg5 : memref<16640xi32, #tpu.memory_space<vmem>>) target_semaphore(%run_scoped3A : memref<!tpu.dma_semaphore, #tpu.memory_space<semaphore_mem>>)
      %dma_wait3A = tpu.memref_slice %arg2[%mul3A_2] : memref<532480xi32, #tpu.memory_space<hbm>> -> memref<16640xi32, #tpu.memory_space<hbm>>
      %dma_wait3A_16 = tpu.memref_slice %arg2[%mul3A_2] : memref<532480xi32, #tpu.memory_space<hbm>> -> memref<16640xi32, #tpu.memory_space<hbm>>
      tpu.wait_dma2 semaphore(%run_scoped3A : memref<!tpu.dma_semaphore, #tpu.memory_space<semaphore_mem>>) src(%dma_wait3A_16 : memref<16640xi32, #tpu.memory_space<hbm>>) dst(%arg5 : memref<16640xi32, #tpu.memory_space<vmem>>)
      tpu.yield
    }) : () -> ()
    %dma_start3A = arith.constant 0 : i32
    %dma_start3A_5 = tpu.memref_slice %arg5[%dma_start3A] : memref<16640xi32, #tpu.memory_space<vmem>> -> memref<104xi32, #tpu.memory_space<vmem>>
    %dma_start3A_6 = arith.constant 0 : i32
    %dma_start3A_7 = arith.constant 0 : i32
    %dma_start3A_8 = tpu.memref_slice %arg3[%dma_start3A_6, %dma_start3A_7] : memref<1000448x64xf32, #tpu.memory_space<hbm>> -> memref<1000448x64xf32, #tpu.memory_space<hbm>>
    tpu.enqueue_indirect_dma source(%dma_start3A_8 : memref<1000448x64xf32, #tpu.memory_space<hbm>>) target(%arg6 : memref<104x64xf32, #tpu.memory_space<vmem>>) offsets(%dma_start3A_5 : memref<104xi32, #tpu.memory_space<vmem>>) semaphore(%arg8 : memref<!tpu.dma_semaphore, #tpu.memory_space<semaphore_mem>>)
    %scan3A = arith.constant 0 : i32
    %scan3A_9 = arith.constant 0 : i32
    %scan3A_10 = arith.constant 80 : i32
    %scan3A_11 = arith.addi %scan3A_9, %scan3A_10 : i32
    %scan3A_12 = arith.constant 1 : i32
    scf.for %scan3A_14 = %scan3A_9 to %scan3A_11 step %scan3A_12  : i32 {
      %mul3A_15 = arith.constant 2 : i32
      %mul3A_16 = arith.muli %scan3A_14, %mul3A_15 : i32
      %add3A_17 = arith.constant 0 : i32
      %add3A_18 = arith.addi %mul3A_16, %add3A_17 : i32
      %add3A_19 = arith.constant 1 : i32
      %add3A_20 = arith.addi %add3A_18, %add3A_19 : i32
      %lt3A = arith.constant 160 : i32
      %lt3A_21 = arith.cmpi slt, %add3A_20, %lt3A : i32
      %convert_element_type3A = arith.extui %lt3A_21 : i1 to i32
      %cond3A = arith.constant 0 : i32
      %cond3A_22 = arith.cmpi ne, %convert_element_type3A, %cond3A : i32
      scf.if %cond3A_22 {
        %mul3A_122 = arith.constant 104 : i32
        %mul3A_123 = arith.muli %add3A_20, %mul3A_122 : i32
        %dma_start3A_124 = tpu.memref_slice %arg5[%mul3A_123] : memref<16640xi32, #tpu.memory_space<vmem>> -> memref<104xi32, #tpu.memory_space<vmem>>
        %dma_start3A_125 = arith.constant 0 : i32
        %dma_start3A_126 = arith.constant 0 : i32
        %dma_start3A_127 = tpu.memref_slice %arg3[%dma_start3A_125, %dma_start3A_126] : memref<1000448x64xf32, #tpu.memory_space<hbm>> -> memref<1000448x64xf32, #tpu.memory_space<hbm>>
        tpu.enqueue_indirect_dma source(%dma_start3A_127 : memref<1000448x64xf32, #tpu.memory_space<hbm>>) target(%arg7 : memref<104x64xf32, #tpu.memory_space<vmem>>) offsets(%dma_start3A_124 : memref<104xi32, #tpu.memory_space<vmem>>) semaphore(%arg9 : memref<!tpu.dma_semaphore, #tpu.memory_space<semaphore_mem>>)
      } else {
      }
      %mul3A_23 = arith.constant 104 : i32
      %mul3A_24 = arith.muli %add3A_18, %mul3A_23 : i32
      %dma_wait3A = tpu.memref_slice %arg5[%mul3A_24] : memref<16640xi32, #tpu.memory_space<vmem>> -> memref<104xi32, #tpu.memory_space<vmem>>
      %dma_wait3A_25 = arith.constant 0 : i32
      %dma_wait3A_26 = arith.constant 0 : i32
      %dma_wait3A_27 = tpu.memref_slice %arg3[%dma_wait3A_25, %dma_wait3A_26] : memref<1000448x64xf32, #tpu.memory_space<hbm>> -> memref<1000448x64xf32, #tpu.memory_space<hbm>>
      tpu.wait_indirect_dma semaphore(%arg8 : memref<!tpu.dma_semaphore, #tpu.memory_space<semaphore_mem>>) src(%dma_wait3A_27 : memref<1000448x64xf32, #tpu.memory_space<hbm>>) dst(%arg6 : memref<104x64xf32, #tpu.memory_space<vmem>>)
      %jit3A = arith.constant 5 : i32
      %div3A = arith.divsi %add3A_18, %jit3A : i32
      %sign3A = arith.constant 0 : i32
      %sign3A_28 = arith.cmpi sgt, %add3A_18, %sign3A : i32
      %sign3A_29 = arith.extui %sign3A_28 : i1 to i32
      %sign3A_30 = arith.constant 0 : i32
      %sign3A_31 = arith.cmpi slt, %add3A_18, %sign3A_30 : i32
      %sign3A_32 = arith.extui %sign3A_31 : i1 to i32
      %sign3A_33 = arith.subi %sign3A_29, %sign3A_32 : i32
      %sign3A_34 = arith.constant 0 : i32
      %sign3A_35 = arith.cmpi sgt, %jit3A, %sign3A_34 : i32
      %sign3A_36 = arith.extui %sign3A_35 : i1 to i32
      %sign3A_37 = arith.constant 0 : i32
      %sign3A_38 = arith.cmpi slt, %jit3A, %sign3A_37 : i32
      %sign3A_39 = arith.extui %sign3A_38 : i1 to i32
      %sign3A_40 = arith.subi %sign3A_36, %sign3A_39 : i32
      %ne3A = arith.cmpi ne, %sign3A_33, %sign3A_40 : i32
      %rem3A = arith.remsi %add3A_18, %jit3A : i32
      %ne3A_41 = arith.constant 0 : i32
      %ne3A_42 = arith.cmpi ne, %rem3A, %ne3A_41 : i32
      %and3A = arith.andi %ne3A, %ne3A_42 : i1
      %sub3A = arith.constant 1 : i32
      %sub3A_43 = arith.subi %div3A, %sub3A : i32
      %select_n3A = arith.select %and3A, %sub3A_43, %div3A : i32
      %add3A_44 = arith.addi %mul3A_4, %select_n3A : i32
      %jit3A_45 = arith.constant 5 : i32
      %eq3A = arith.constant 0 : i32
      %eq3A_46 = arith.cmpi eq, %jit3A_45, %eq3A : i32
      %jit3A_47 = arith.constant 1 : i32
      %select_n3A_48 = arith.select %eq3A_46, %jit3A_47, %jit3A_45 : i32
      %rem3A_49 = arith.remsi %add3A_18, %select_n3A_48 : i32
      %ne3A_50 = arith.constant 0 : i32
      %ne3A_51 = arith.cmpi ne, %rem3A_49, %ne3A_50 : i32
      %lt3A_52 = arith.constant 0 : i32
      %lt3A_53 = arith.cmpi slt, %rem3A_49, %lt3A_52 : i32
      %lt3A_54 = arith.constant 0 : i32
      %lt3A_55 = arith.cmpi slt, %select_n3A_48, %lt3A_54 : i32
      %ne3A_56 = arith.xori %lt3A_53, %lt3A_55 : i1
      %and3A_57 = arith.andi %ne3A_56, %ne3A_51 : i1
      %add3A_58 = arith.addi %rem3A_49, %select_n3A_48 : i32
      %select_n3A_59 = arith.select %and3A_57, %add3A_58, %rem3A_49 : i32
      %mul3A_60 = arith.constant 104 : i32
      %mul3A_61 = arith.muli %select_n3A_59, %mul3A_60 : i32
      "tpu.region"() ({
        %run_scoped3A = tpu.sem_alloc : memref<!tpu.dma_semaphore, #tpu.memory_space<semaphore_mem>>
        %dma_start3A_122 = arith.constant 0 : i32
        %dma_start3A_123 = tpu.memref_slice %arg4[%add3A_44, %mul3A_61, %dma_start3A_122] : memref<1024x520x64xf32, #tpu.memory_space<hbm>> -> memref<1x104x64xf32, #tpu.memory_space<hbm>>
        %dma_start3A_124 = tpu.memref_squeeze %dma_start3A_123 : memref<1x104x64xf32, #tpu.memory_space<hbm>> -> memref<104x64xf32, #tpu.memory_space<hbm>>
        %dma_start3A_125 = arith.constant 0 : i32
        %dma_start3A_126 = tpu.memref_slice %arg4[%add3A_44, %mul3A_61, %dma_start3A_125] : memref<1024x520x64xf32, #tpu.memory_space<hbm>> -> memref<1x104x64xf32, #tpu.memory_space<hbm>>
        %dma_start3A_127 = tpu.memref_squeeze %dma_start3A_126 : memref<1x104x64xf32, #tpu.memory_space<hbm>> -> memref<104x64xf32, #tpu.memory_space<hbm>>
        tpu.enqueue_dma source(%arg6 : memref<104x64xf32, #tpu.memory_space<vmem>>) target(%dma_start3A_127 : memref<104x64xf32, #tpu.memory_space<hbm>>) target_semaphore(%run_scoped3A : memref<!tpu.dma_semaphore, #tpu.memory_space<semaphore_mem>>)
        %dma_wait3A_128 = arith.constant 0 : i32
        %dma_wait3A_129 = tpu.memref_slice %arg4[%add3A_44, %mul3A_61, %dma_wait3A_128] : memref<1024x520x64xf32, #tpu.memory_space<hbm>> -> memref<1x104x64xf32, #tpu.memory_space<hbm>>
        %dma_wait3A_130 = tpu.memref_squeeze %dma_wait3A_129 : memref<1x104x64xf32, #tpu.memory_space<hbm>> -> memref<104x64xf32, #tpu.memory_space<hbm>>
        %dma_wait3A_131 = arith.constant 0 : i32
        %dma_wait3A_132 = tpu.memref_slice %arg4[%add3A_44, %mul3A_61, %dma_wait3A_131] : memref<1024x520x64xf32, #tpu.memory_space<hbm>> -> memref<1x104x64xf32, #tpu.memory_space<hbm>>
        %dma_wait3A_133 = tpu.memref_squeeze %dma_wait3A_132 : memref<1x104x64xf32, #tpu.memory_space<hbm>> -> memref<104x64xf32, #tpu.memory_space<hbm>>
        tpu.wait_dma2 semaphore(%run_scoped3A : memref<!tpu.dma_semaphore, #tpu.memory_space<semaphore_mem>>) src(%arg6 : memref<104x64xf32, #tpu.memory_space<vmem>>) dst(%dma_wait3A_133 : memref<104x64xf32, #tpu.memory_space<hbm>>)
        tpu.yield
      }) : () -> ()
      %mul3A_62 = arith.constant 2 : i32
      %mul3A_63 = arith.muli %scan3A_14, %mul3A_62 : i32
      %add3A_64 = arith.constant 1 : i32
      %add3A_65 = arith.addi %mul3A_63, %add3A_64 : i32
      %add3A_66 = arith.constant 1 : i32
      %add3A_67 = arith.addi %add3A_65, %add3A_66 : i32
      %lt3A_68 = arith.constant 160 : i32
      %lt3A_69 = arith.cmpi slt, %add3A_67, %lt3A_68 : i32
      %convert_element_type3A_70 = arith.extui %lt3A_69 : i1 to i32
      %cond3A_71 = arith.constant 0 : i32
      %cond3A_72 = arith.cmpi ne, %convert_element_type3A_70, %cond3A_71 : i32
      scf.if %cond3A_72 {
        %mul3A_122 = arith.constant 104 : i32
        %mul3A_123 = arith.muli %add3A_67, %mul3A_122 : i32
        %dma_start3A_124 = tpu.memref_slice %arg5[%mul3A_123] : memref<16640xi32, #tpu.memory_space<vmem>> -> memref<104xi32, #tpu.memory_space<vmem>>
        %dma_start3A_125 = arith.constant 0 : i32
        %dma_start3A_126 = arith.constant 0 : i32
        %dma_start3A_127 = tpu.memref_slice %arg3[%dma_start3A_125, %dma_start3A_126] : memref<1000448x64xf32, #tpu.memory_space<hbm>> -> memref<1000448x64xf32, #tpu.memory_space<hbm>>
        tpu.enqueue_indirect_dma source(%dma_start3A_127 : memref<1000448x64xf32, #tpu.memory_space<hbm>>) target(%arg6 : memref<104x64xf32, #tpu.memory_space<vmem>>) offsets(%dma_start3A_124 : memref<104xi32, #tpu.memory_space<vmem>>) semaphore(%arg8 : memref<!tpu.dma_semaphore, #tpu.memory_space<semaphore_mem>>)
      } else {
      }
      %mul3A_73 = arith.constant 104 : i32
      %mul3A_74 = arith.muli %add3A_65, %mul3A_73 : i32
      %dma_wait3A_75 = tpu.memref_slice %arg5[%mul3A_74] : memref<16640xi32, #tpu.memory_space<vmem>> -> memref<104xi32, #tpu.memory_space<vmem>>
      %dma_wait3A_76 = arith.constant 0 : i32
      %dma_wait3A_77 = arith.constant 0 : i32
      %dma_wait3A_78 = tpu.memref_slice %arg3[%dma_wait3A_76, %dma_wait3A_77] : memref<1000448x64xf32, #tpu.memory_space<hbm>> -> memref<1000448x64xf32, #tpu.memory_space<hbm>>
      tpu.wait_indirect_dma semaphore(%arg9 : memref<!tpu.dma_semaphore, #tpu.memory_space<semaphore_mem>>) src(%dma_wait3A_78 : memref<1000448x64xf32, #tpu.memory_space<hbm>>) dst(%arg7 : memref<104x64xf32, #tpu.memory_space<vmem>>)
      %jit3A_79 = arith.constant 5 : i32
      %div3A_80 = arith.divsi %add3A_65, %jit3A_79 : i32
      %sign3A_81 = arith.constant 0 : i32
      %sign3A_82 = arith.cmpi sgt, %add3A_65, %sign3A_81 : i32
      %sign3A_83 = arith.extui %sign3A_82 : i1 to i32
      %sign3A_84 = arith.constant 0 : i32
      %sign3A_85 = arith.cmpi slt, %add3A_65, %sign3A_84 : i32
      %sign3A_86 = arith.extui %sign3A_85 : i1 to i32
      %sign3A_87 = arith.subi %sign3A_83, %sign3A_86 : i32
      %sign3A_88 = arith.constant 0 : i32
      %sign3A_89 = arith.cmpi sgt, %jit3A_79, %sign3A_88 : i32
      %sign3A_90 = arith.extui %sign3A_89 : i1 to i32
      %sign3A_91 = arith.constant 0 : i32
      %sign3A_92 = arith.cmpi slt, %jit3A_79, %sign3A_91 : i32
      %sign3A_93 = arith.extui %sign3A_92 : i1 to i32
      %sign3A_94 = arith.subi %sign3A_90, %sign3A_93 : i32
      %ne3A_95 = arith.cmpi ne, %sign3A_87, %sign3A_94 : i32
      %rem3A_96 = arith.remsi %add3A_65, %jit3A_79 : i32
      %ne3A_97 = arith.constant 0 : i32
      %ne3A_98 = arith.cmpi ne, %rem3A_96, %ne3A_97 : i32
      %and3A_99 = arith.andi %ne3A_95, %ne3A_98 : i1
      %sub3A_100 = arith.constant 1 : i32
      %sub3A_101 = arith.subi %div3A_80, %sub3A_100 : i32
      %select_n3A_102 = arith.select %and3A_99, %sub3A_101, %div3A_80 : i32
      %add3A_103 = arith.addi %mul3A_4, %select_n3A_102 : i32
      %jit3A_104 = arith.constant 5 : i32
      %eq3A_105 = arith.constant 0 : i32
      %eq3A_106 = arith.cmpi eq, %jit3A_104, %eq3A_105 : i32
      %jit3A_107 = arith.constant 1 : i32
      %select_n3A_108 = arith.select %eq3A_106, %jit3A_107, %jit3A_104 : i32
      %rem3A_109 = arith.remsi %add3A_65, %select_n3A_108 : i32
      %ne3A_110 = arith.constant 0 : i32
      %ne3A_111 = arith.cmpi ne, %rem3A_109, %ne3A_110 : i32
      %lt3A_112 = arith.constant 0 : i32
      %lt3A_113 = arith.cmpi slt, %rem3A_109, %lt3A_112 : i32
      %lt3A_114 = arith.constant 0 : i32
      %lt3A_115 = arith.cmpi slt, %select_n3A_108, %lt3A_114 : i32
      %ne3A_116 = arith.xori %lt3A_113, %lt3A_115 : i1
      %and3A_117 = arith.andi %ne3A_116, %ne3A_111 : i1
      %add3A_118 = arith.addi %rem3A_109, %select_n3A_108 : i32
      %select_n3A_119 = arith.select %and3A_117, %add3A_118, %rem3A_109 : i32
      %mul3A_120 = arith.constant 104 : i32
      %mul3A_121 = arith.muli %select_n3A_119, %mul3A_120 : i32
      "tpu.region"() ({
        %run_scoped3A = tpu.sem_alloc : memref<!tpu.dma_semaphore, #tpu.memory_space<semaphore_mem>>
        %dma_start3A_122 = arith.constant 0 : i32
        %dma_start3A_123 = tpu.memref_slice %arg4[%add3A_103, %mul3A_121, %dma_start3A_122] : memref<1024x520x64xf32, #tpu.memory_space<hbm>> -> memref<1x104x64xf32, #tpu.memory_space<hbm>>
        %dma_start3A_124 = tpu.memref_squeeze %dma_start3A_123 : memref<1x104x64xf32, #tpu.memory_space<hbm>> -> memref<104x64xf32, #tpu.memory_space<hbm>>
        %dma_start3A_125 = arith.constant 0 : i32
        %dma_start3A_126 = tpu.memref_slice %arg4[%add3A_103, %mul3A_121, %dma_start3A_125] : memref<1024x520x64xf32, #tpu.memory_space<hbm>> -> memref<1x104x64xf32, #tpu.memory_space<hbm>>
        %dma_start3A_127 = tpu.memref_squeeze %dma_start3A_126 : memref<1x104x64xf32, #tpu.memory_space<hbm>> -> memref<104x64xf32, #tpu.memory_space<hbm>>
        tpu.enqueue_dma source(%arg7 : memref<104x64xf32, #tpu.memory_space<vmem>>) target(%dma_start3A_127 : memref<104x64xf32, #tpu.memory_space<hbm>>) target_semaphore(%run_scoped3A : memref<!tpu.dma_semaphore, #tpu.memory_space<semaphore_mem>>)
        %dma_wait3A_128 = arith.constant 0 : i32
        %dma_wait3A_129 = tpu.memref_slice %arg4[%add3A_103, %mul3A_121, %dma_wait3A_128] : memref<1024x520x64xf32, #tpu.memory_space<hbm>> -> memref<1x104x64xf32, #tpu.memory_space<hbm>>
        %dma_wait3A_130 = tpu.memref_squeeze %dma_wait3A_129 : memref<1x104x64xf32, #tpu.memory_space<hbm>> -> memref<104x64xf32, #tpu.memory_space<hbm>>
        %dma_wait3A_131 = arith.constant 0 : i32
        %dma_wait3A_132 = tpu.memref_slice %arg4[%add3A_103, %mul3A_121, %dma_wait3A_131] : memref<1024x520x64xf32, #tpu.memory_space<hbm>> -> memref<1x104x64xf32, #tpu.memory_space<hbm>>
        %dma_wait3A_133 = tpu.memref_squeeze %dma_wait3A_132 : memref<1x104x64xf32, #tpu.memory_space<hbm>> -> memref<104x64xf32, #tpu.memory_space<hbm>>
        tpu.wait_dma2 semaphore(%run_scoped3A : memref<!tpu.dma_semaphore, #tpu.memory_space<semaphore_mem>>) src(%arg7 : memref<104x64xf32, #tpu.memory_space<vmem>>) dst(%dma_wait3A_133 : memref<104x64xf32, #tpu.memory_space<hbm>>)
        tpu.yield
      }) : () -> ()
    }
    %scan3A_13 = arith.constant 80 : i32
    return
  }
}

module attributes {stable_mosaic.version = 14 : i64} {
  func.func @tpose_body(%arg0: i32, %arg1: memref<64x512xf32, #tpu.memory_space<vmem>>, %arg2: memref<64x512xf32, #tpu.memory_space<vmem>>, %arg3: memref<512x128xf32, #tpu.memory_space<vmem>>) attributes {dimension_semantics = [#tpu.dimension_semantics<arbitrary>], iteration_bounds = array<i64: 977>, scalar_prefetch = 0 : i64, scratch_operands = 0 : i64, tpu.core_type = #tpu.core_type<tc>, window_params = [{transform_indices = @transform_0, window_bounds = array<i64: 64, 512>}, {transform_indices = @transform_1, window_bounds = array<i64: 64, 512>}, {transform_indices = @transform_2, window_bounds = array<i64: 512, 128>}]} {
    %get3A = arith.constant 0 : index
    %get3A_0 = arith.constant 0 : index
    %get3A_1 = vector.load %arg1[%get3A, %get3A_0] : memref<64x512xf32, #tpu.memory_space<vmem>>, vector<64x512xf32>
    %get3A_2 = arith.constant 0 : index
    %get3A_3 = arith.constant 0 : index
    %get3A_4 = vector.load %arg2[%get3A_2, %get3A_3] : memref<64x512xf32, #tpu.memory_space<vmem>>, vector<64x512xf32>
    %transpose3A = tpu.transpose %get3A_1, [1, 0] : vector<64x512xf32> -> vector<512x64xf32>
    %transpose3A_5 = tpu.transpose %get3A_4, [1, 0] : vector<64x512xf32> -> vector<512x64xf32>
    %concatenate3A = tpu.concatenate %transpose3A, %transpose3A_5 in 1 : vector<512x64xf32>, vector<512x64xf32> -> vector<512x128xf32>
    %swap3A = arith.constant 0 : index
    %swap3A_6 = arith.constant 0 : index
    %swap3A_7 = vector.load %arg3[%swap3A, %swap3A_6] : memref<512x128xf32, #tpu.memory_space<vmem>>, vector<512x128xf32>
    tpu.vector_store %arg3[%swap3A, %swap3A_6], %concatenate3A {strides = array<i32>} : memref<512x128xf32, #tpu.memory_space<vmem>>, vector<512x128xf32>,
    return
  }
  func.func @transform_0(%arg0: i32) -> (i32, i32) {
    %c0_i32 = arith.constant 0 : i32
    %c0_i32_0 = arith.constant 0 : i32
    return %c0_i32, %arg0 : i32, i32
  }
  func.func @transform_1(%arg0: i32) -> (i32, i32) {
    %add3A = arith.constant 977 : i32
    %add3A_0 = arith.addi %arg0, %add3A : i32
    %c0_i32 = arith.constant 0 : i32
    %c0_i32_1 = arith.constant 0 : i32
    return %c0_i32, %add3A_0 : i32, i32
  }
  func.func @transform_2(%arg0: i32) -> (i32, i32) {
    %c0_i32 = arith.constant 0 : i32
    %c0_i32_0 = arith.constant 0 : i32
    return %arg0, %c0_i32 : i32, i32
  }
}

</mosaic_0001>

<sc_bundles>
// kernel: kernel.4.cloned.1.call-start
scs
__scs_entry_jumppad:
0x0: {  	(pc) =	sbr.rel $0x88, $3  }
0x1: {  	(tag) =	ssettag $0x0;
	lr =	simm.s32 $0x1  }
0x2: {  	[smem:$0x3F9F] =	sst lr;
	_ =	strace $0xD0000000  }
0x3: {  	_ = 	snop  }
0x4: {  	_ = 	snop  }
0x5: {  	_ = 	snop  }
0x6: {  	_ = 	snop  }
0x7: {  	_ = 	snop  }
__scs_overlays_trampoline_lowered:
0x8: {  	[smem:$0x3FAE] =	sst s0  }
0x9: {  	[smem:$0x3FAF] =	sst s1  }
0xa: {  	[smem:$0x3FB0] =	sst s2  }
0xb: {  	[smem:$0x3FB1] =	sst s3  }
0xc: {  	[smem:$0x3FB2] =	sst s4  }
0xd: {  	[smem:$0x3FB3] =	sst s5  }
0xe: {  	[smem:$0x3FB4] =	sst s6  }
0xf: {  	[smem:$0x3FB5] =	sst s7  }
0x10: {  	[smem:$0x3FB6] =	sst s8  }
0x11: {  	[smem:$0x3FB7] =	sst s9;
	s0 =	simm.s32 @!p0 $0x0  }
0x12: {  	s1 =	sld [smem:$0x3F9D];
	s0 =	simm.s32 @p0 $0x1  }
0x13: {  	[smem:$0x3FB8] =	sst s0;
	s0 =	simm.s32 @!p1 $0x0  }
0x14: {  	s2 =	sld [smem:$0x3F9C];
	s0 =	simm.s32 @p1 $0x1  }
0x15: {  	[smem:$0x3FB9] =	sst s0;
	s0 =	simm.s32 @!p2 $0x0  }
0x16: {  	s3 =	sld [smem:$0x3FDB];
	s0 =	simm.s32 @p2 $0x1  }
0x17: {  	s4 =	simm.s32 $0x1BF5;
	[smem:$0x3FBB] =	sst s0  }
0x18: {  	s0 =	sld [smem:$0x3F9E];
	_ =	swait.ge [sflag:s4], $0x0  }
0x19: {  	s7 =	sld [smem:$0x3F9F]  }
0x1a: {  	s8 =	sadd.s32 $0xFFFFE003, lr  }
0x1b: {  	s9 =	sadd.s32 $0xFFFFFEF7, lr;
	s5 =	simm.s32 $0xFFFFFFFF;
	p2 =	slt.u32 s8, $0xFFFFF086  }
0x1c: {  	p1 =	slt.u32 s9, $0xF7A;
	s5 =	simm.s32 @!p2 $0x0  }
0x1d: {  	s5 =	simm.s32 @p1 $0x1;
	p0 =	seq.s32 s7, s2  }
0x1e: {  	s7 =	smul.u32 @!p0 $0xF7A, s2;
	p2 =	seq.s32 @!p0 s5, $0x0  }
0x1f: {  	s9 =	smul.u32 $0xF7A, s1;
	s8 =	simm.s32 @!p0 $0x1BF5;
	p2 =	por !p2, p0  }
0x20: {  	[sflag:s8] =	ssyncset.s32 @!p0 $0xFFFFF086;
	s6 =	sadd.s32 @!p0 s3, s7;
	s7 =	simm.s32 @!p0 $0x108  }
0x21: {  	s3 =	sadd.s32 s3, s9;
	s6 =	sadd.s32 @!p0 $0x88, s6;
	s7 =	simm.s32 @p2 $0x1082  }
0x22: {  	[simem:s7], [sflag:s8] =	dma.local @!p0 [hbm:s6], $0xF7A  }
0x23: {  	s9 =	sor.u32 $0xD0000000, s2;
	s6 =	simm.s32 $0x108;
	_ =	swait.ge @!p0 [sflag:s8], $0x0  }
0x24: {  	s3 =	sadd.s32 $0x88, s3;
	s6 =	simm.s32 @!p1 $0x1082;
	[sflag:s4] =	ssyncset.s32 $0xFFFFF086  }
0x25: {  	[simem:s6], [sflag:s4] =	dma.local [hbm:s3], $0xF7A  }
0x26: {  	[smem:$0x3F9F] =	sst s1;
	(tag) =	ssettag s2;
	_ =	strace s9  }
0x27: {  	s1 =	sld [smem:$0x3FAF]  }
0x28: {  	s2 =	sld [smem:$0x3FB0]  }
0x29: {  	s4 =	sld [smem:$0x3FB2]  }
0x2a: {  	p0 =	seq.s32 s5, $0x0;
	s5 =	sld [smem:$0x3FB3]  }
0x2b: {  	s6 =	sld [smem:$0x3FB4]  }
0x2c: {  	s7 =	sld [smem:$0x3FB5]  }
0x2d: {  	s3 =	simm.s32 $0x108;
	s8 =	sld [smem:$0x3FB6]  }
0x2e: {  	s3 =	simm.s32 @!p0 $0x1082;
	s9 =	sld [smem:$0x3FB7]  }
0x2f: {  	lr =	sadd.s32 s0, s3;
	s0 =	sld [smem:$0x3FAE]  }
0x30: {  	s3 =	sld [smem:$0x3FB1]  }
0x31: {  	[smem:$0x3FBA] =	sst s10  }
0x32: {  	s10 =	sld [smem:$0x3FB8];
	_ =	sdelay $0x3  }
0x33: {  	p0 =	seq.s32 s10, $0x1;
	s10 =	sld [smem:$0x3FBA];
	_ =	sdelay $0x3  }
0x34: {  	[smem:$0x3FBA] =	sst s10  }
0x35: {  	s10 =	sld [smem:$0x3FB9];
	_ =	sdelay $0x3  }
0x36: {  	p1 =	seq.s32 s10, $0x1;
	s10 =	sld [smem:$0x3FBA];
	_ =	sdelay $0x3  }
0x37: {  	[smem:$0x3FBA] =	sst s10  }
0x38: {  	s10 =	sld [smem:$0x3FBB]  }
0x39: {  	_ = 	snop;
	(pc) =	sbr.ind lr, $3  }
0x3a: {  	_ = 	snop  }
0x3b: {  	_ = 	snop  }
0x3c: {  	p2 =	seq.s32 s10, $0x1;
	s10 =	sld [smem:$0x3FBA]  }
0x3d: {  	_ =	shalt  }
0x3e: {  	_ =	shalt  }
0x3f: {  	_ =	shalt  }
0x40: {  	_ =	shalt  }
0x41: {  	_ =	shalt  }
0x42: {  	_ =	shalt  }
0x43: {  	_ =	shalt  }
0x44: {  	_ =	shalt  }
0x45: {  	_ =	shalt  }
0x46: {  	_ =	shalt  }
0x47: {  	_ =	shalt  }
0x48: {  	_ =	shalt  }
0x49: {  	_ =	shalt  }
0x4a: {  	_ =	shalt  }
0x4b: {  	_ =	shalt  }
0x4c: {  	_ =	shalt  }
0x4d: {  	_ =	shalt  }
0x4e: {  	_ =	shalt  }
0x4f: {  	_ =	shalt  }
0x50: {  	_ =	shalt  }
0x51: {  	_ =	shalt  }
0x52: {  	_ =	shalt  }
0x53: {  	_ =	shalt  }
0x54: {  	_ =	shalt  }
0x55: {  	_ =	shalt  }
0x56: {  	_ =	shalt  }
0x57: {  	_ =	shalt  }
0x58: {  	_ =	shalt  }
0x59: {  	_ =	shalt  }
0x5a: {  	_ =	shalt  }
0x5b: {  	_ =	shalt  }
0x5c: {  	_ =	shalt  }
0x5d: {  	_ =	shalt  }
0x5e: {  	_ =	shalt  }
0x5f: {  	_ =	shalt  }
0x60: {  	_ =	shalt  }
0x61: {  	_ =	shalt  }
0x62: {  	_ =	shalt  }
0x63: {  	_ =	shalt  }
0x64: {  	_ =	shalt  }
0x65: {  	_ =	shalt  }
0x66: {  	_ =	shalt  }
0x67: {  	_ =	shalt  }
0x68: {  	_ =	shalt  }
0x69: {  	_ =	shalt  }
0x6a: {  	_ =	shalt  }
0x6b: {  	_ =	shalt  }
0x6c: {  	_ =	shalt  }
0x6d: {  	_ =	shalt  }
0x6e: {  	_ =	shalt  }
0x6f: {  	_ =	shalt  }
0x70: {  	_ =	shalt  }
0x71: {  	_ =	shalt  }
0x72: {  	_ =	shalt  }
0x73: {  	_ =	shalt  }
0x74: {  	_ =	shalt  }
0x75: {  	_ =	shalt  }
0x76: {  	_ =	shalt  }
0x77: {  	_ =	shalt  }
0x78: {  	_ =	shalt  }
0x79: {  	_ =	shalt  }
0x7a: {  	_ =	shalt  }
0x7b: {  	_ =	shalt  }
0x7c: {  	_ =	shalt  }
0x7d: {  	_ =	shalt  }
0x7e: {  	_ =	shalt  }
0x7f: {  	_ =	shalt  }
0x80: {  	_ =	shalt  }
0x81: {  	_ =	shalt  }
0x82: {  	_ =	shalt  }
0x83: {  	_ =	shalt  }
0x84: {  	_ =	shalt  }
0x85: {  	_ =	shalt  }
0x86: {  	_ =	shalt  }
0x87: {  	_ =	shalt  }
.Lfunc_end0:
.L_simem_size_0:
called_computation.1_lowered:
.L_overlay_start_0:
0x88: {  	s2 =	sld [smem:$0x3FD9]  }
0x89: {  	s3 =	sld [smem:$0x3FFE];
	_ =	sdelay $0x1  }
0x8a: {  	s1 =	srdreg.scid  }
0x8b: {  	s0 =	sand.u32 $0x1, s1  }
0x8c: {  	s17 =	sshll.u32 s0, $0xA;
	s2 =	sadd.s32 s3, s2  }
0x8d: {  	s2 =	sadd.s32 s2, s17  }
0x8e: {  	[smem:$0x3FC6] =	sst s2  }
0x8f: {  	_ = 	snop  }
0x90: {  	s2 =	sld [smem:$0x3FD0];
	(tm) =	ssettm $0x1  }
0x91: {  	s18 =	sld [smem:$0x3FFB];
	_ =	sdelay $0x3  }
0x92: {  	_ =	strace s18  }
0x93: {  	s3 =	sld [smem:$0x3FFC];
	_ =	sdelay $0x3  }
0x94: {  	_ =	strace s3  }
0x95: {  	s3 =	sld [smem:$0x3FFD];
	_ =	sdelay $0x3  }
0x96: {  	_ =	strace s3  }
0x97: {  	_ =	strace $0x8FFFFFFF  }
0x98: {  	s19 =	sld [smem:$0x3FDB];
	_ =	sdelay $0x1  }
0x99: {  	s4 =	simm.s32 $_scs_section_size  }
0x9a: {  	s5 =	simm.s32 $_size__tile_overlayer_lowered;
	s6 =	simm.s32 $_tile_overlayer_lowered  }
0x9b: {  	s22 =	simm.s32 $0x1BFF;
	s21 =	sshll.u32 s6, $0x1;
	s3 =	sadd.s32 s4, s19  }
0x9c: {  	s7 =	simm.s32 $0x0;
	s20 =	sshll.u32 s5, $0x1;
	s5 =	sadd.s32 s21, s3  }
0x9d: {  	[timem:s7], [sflag:s22] =	dma.local [hbm:s5], s20  }
0x9e: {  	_ =	swait.ge [sflag:s22], s20  }
0x9f: {  	s4 =	ssub.s32 $0x0, s20;
	[sflag:s22] =	ssyncset.done $0x0  }
0xa0: {  	[sflag:s22] =	ssyncadd.s32 s4;
	_ =	sdelay $0x1  }
0xa1: {  	s23 =	simm.s32 $0x1B8B  }
0xa2: {  	_ =	swait.ge [sflag:s23], $0x1  }
0xa3: {  	[sflag:s23] =	ssyncset.done $0x0  }
0xa4: {  	s25 =	simm.s32 $0x1B8E;
	s24 =	sld [smem:$0x3FFE];
	[sflag:s23] =	ssyncadd.s32 $0xFFFFFFFF  }
0xa5: {  	s26 =	simm.s32 $execute0_lowered;
	[smem:$0x3FD2] =	sst s25  }
0xa6: {  	s5 =	sshll.u32 s26, $0x1;
	_ =	strace $0x80000046;
	[dreg:$0x1] =	wrdreg $0xFFFFFFFF  }
0xa7: {  	s28 =	simm.s32 $_size_execute0_lowered;
	s3 =	sadd.s32 s3, s5;
	[dreg:$0x0] =	wrdreg $0x0  }
0xa8: {  	s5 =	sshll.u32 s28, $0x1;
	[dreg:$0x2] =	wrdreg s3  }
0xa9: {  	[dreg:$0x3] =	wrdreg s5  }
0xaa: {  	[dreg:$0x4] =	wrdreg $0xC0  }
0xab: {  	_ =	task [dreg:s7], $0x5FFFF  }
0xac: {  	[dreg:$0x1] =	wrdreg $0xFFFFFFFF  }
0xad: {  	[dreg:$0x0] =	wrdreg $0x60  }
0xae: {  	[dreg:$0x2] =	wrdreg s24  }
0xaf: {  	[dreg:$0x3] =	wrdreg s2  }
0xb0: {  	[dreg:$0x4] =	wrdreg $0x9  }
0xb1: {  	_ =	task.clear_ibuf [dreg:s7], $0x5FFFF;
	_ =	strace $0x90000046  }
0xb2: {  	s29 =	simm.s32 $0x9;
	_ =	strace $0x80000048  }
0xb3: {  	_ =	swait.ge [sflag:s29], $0x1  }
0xb4: {  	[sflag:s29] =	ssyncadd.s32 $0xFFFFFFFF  }
0xb5: {  	_ =	strace $0x90000048  }
0xb6: {  	_ =	sfence  }
0xb7: {  	s30 =	sld [smem:$0x0];
	_ =	sdelay $0x2  }
0xb8: {  	s31 =	sshll.u32 s1, $0xD;
	s1 =	sshrl.u32 s1, $0x2  }
0xb9: {  	s3 =	sand.u32 $0x4000, s31;
	s1 =	sadd.s32 s1, s30  }
0xba: {  	s0 =	sor.u32 s3, s0;
	s1 =	sshll.u32 s1, $0x11  }
0xbb: {  	s0 =	sor.u32 s1, s0  }
0xbc: {  	s0 =	sadd.s32 $0x8F2B, s0  }
0xbd: {  	[sflag:s0] =	ssyncadd.remote.s32 $0x1  }
0xbe: {  	_ =	sfence.sel $0xFFFF  }
0xbf: {  	[dreg:$0x0] =	wrdreg $0xFFFFFFFF;
	(pc) =	sbr.abs _section_cstart, $3  }
0xc0: {  	[dreg:$0x1] =	wrdreg $0xFFFFFFFF  }
0xc1: {  	_ =	task.clear_ibuf [dreg:s7], $0x2FFFF;
	_ =	strace $0x9FFFFFFF  }
0xc2: {  	(tm) =	ssettm $0x7FFFFFFF  }
0xc3: {  	_ =	shalt  }
tec
execute0_lowered:
.L_overlay_start_1:
0x0: {  	(tag) =	ssettag $0x1  }
0x1: {  	s1 =	srdreg.scid  }
0x2: {  	s0 =	stileid.u32;
	s4 =	rddreg [dreg:$0x0]  }
0x3: {  	s2 =	rddreg [dreg:$0x1];
	s3 =	simm.s32 $0x0;
	s9 =	simm.s32 $0x68  }
0x4: {  	s10 =	simm.s32 $0x4100;
	s11 =	simm.s32 $0x5B00;
	s12 =	simm.s32 $0x1  }
0x5: {  	s13 =	simm.s32 $0x2;
	s5 =	sand.u32 $0x1, s1;
	s31 =	sshll.u32 s0, $0x1  }
0x6: {  	s14 =	simm.s32 $0x0;
	s6 =	sor.u32 s5, s31;
	s5 =	ssub.s32 $0x2, s5  }
0x7: {  	[smem:$0x7FF] =	sst s3;
	s7 =	smul.u32 $0x820, s6;
	s8 =	sshrl.u32 s5, $0x1  }
0x8: {  	s1 =	rddreg [dreg:$0x2];
	_ =	strace $0x80000047;
	s8 =	ssub.s32 s5, s8  }
0x9: {  	s5 =	sshll.u32 s6, $0x5;
	s7 =	sadd.s32 s7, s4;
	s4 =	sadd.s32 $0x5000, s4  }
0xa: {  	s6 =	sadd.s32 $0x7A7000, s7;
	s7 =	smax.u32 s8, $0x1;
	s8 =	simm.s32 $0x3  }
.LBB2_1:
0xb: {  	[tilespmem:s3], [sflag:$0x3] =	stream.linear.gather [hbm4b:s6+s3], $0x4100, $0x38;
	[tilespmem:$0x7500] =	vst v63  }
0xc: {  	s15 =	smul.u32 $0xCD, s3;
	s17 =	simm.s32 $0xD0  }
0xd: {  	s16 =	simm.s32 $0x2;
	p0 =	por $0x0, $0x0;
	_ =	swait.ge [sflag:s8], $0x4100  }
0xe: {  	s19 =	simm.s32 $0x1;
	[sflag:s8] =	ssyncset.done $0x0;
	s15 =	sshrl.u32 s15, $0xA  }
0xf: {  	s19 =	smul.u32 $0xCD, s19;
	[sflag:s8] =	ssyncadd.s32 $0xFFFFBF00;
	s15 =	sand.u32 $0x3F, s15  }
0x10: {  	[tilespmem:s10], [sflag:$0x1] =	stream.indirect.gather [hbm4b:s4+s9], $0x40, s3, s9, $0xb8;
	[tilespmem:$0x7500] =	vst v63  }
0x11: {  	s21 =	simm.s32 $0x68;
	p1 =	por p0, p0;
	s18 =	smul.u32 $0x5, s15  }
0x12: {  	s23 =	smul.u32 $0xCD, s16;
	s19 =	sshrl.u32 s19, $0xA;
	s15 =	sadd.s32 s15, s5  }
0x13: {  	s19 =	sand.u32 $0x3F, s19;
	s15 =	smul.u32 $0x8200, s15;
	s20 =	ssub.s32 $0x0, s18  }
0x14: {  	p0 =	por $0x0, $0x0;
	s31 =	smul.u32 $0x5, s19;
	s20 =	sand.u32 $0xFF, s20  }
0x15: {  	p1 =	por p1, p1;
	s22 =	sadd.s32 s19, s5;
	s20 =	smul.u32 $0x1A00, s20  }
0x16: {  	[tilespmem:s11], [sflag:$0x2] =	stream.indirect.gather [hbm4b:s4+s9], $0x40, s21, s9, $0xb8;
	[tilespmem:$0x7500] =	vst v63  }
0x17: {  	s22 =	smul.u32 $0x8200, s22;
	_ =	swait.ge [sflag:s12], $0x1A00;
	s20 =	sadd.s32 s20, s15  }
0x18: {  	s21 =	ssub.s32 $0x1, s31;
	[sflag:s12] =	ssyncset.done $0x0;
	s20 =	sshrl.u32 s20, $0x3  }
0x19: {  	s24 =	sand.u32 $0xFF, s21;
	[sflag:s12] =	ssyncadd.s32 $0xFFFFE600;
	s20 =	sadd.s32 s2, s20  }
0x1a: {  	[hbm4b:s20+s3] =	stream.linear.scatter [tilespmem:s10], [sflag:$0x3], $0x1A00, $0x38;
	[tilespmem:$0x7500] =	vst v63  }
0x1b: {  	s19 =	simm.s32 @!p1 $0x4100;
	s20 =	sshrl.u32 s23, $0xA;
	s23 =	smul.u32 $0x1A00, s24  }
0x1c: {  	s18 =	simm.s32 $0x4;
	s21 =	simm.s32 @!p1 $0x68;
	s15 =	simm.s32 $0x1A0  }
.LBB2_2:
0x1d: {  	_ =	swait.ge [sflag:s8], $0x1A00;
	s22 =	sadd.s32 s23, s22  }
0x1e: {  	s23 =	smov.u32 s18;
	s18 =	sadd.s32 $0x2, s18;
	p3 =	por p0, p0  }
0x1f: {  	p2 =	sne.s32 s18, $0xA0;
	[sflag:s8] =	ssyncset.done $0x0;
	s22 =	sshrl.u32 s22, $0x3  }
0x20: {  	p0 =	seq.s32 s23, $0x9E;
	[sflag:s8] =	ssyncadd.s32 $0xFFFFE600  }
0x21: {  	[tilespmem:s19], [sflag:$0x1] =	stream.indirect.gather @!p1 [hbm4b:s4+s21], $0x40, s17, s21, $0xb8;
	[tilespmem:$0x7500] =	vst v63  }
0x22: {  	s24 =	sadd.s32 $0x1, s16;
	s19 =	sand.u32 $0x3F, s20;
	s17 =	smov.u32 s15  }
0x23: {  	_ =	swait.ge [sflag:s13], $0x1A00;
	s20 =	sadd.s32 s19, s5;
	s19 =	smul.u32 $0x5, s19  }
0x24: {  	s22 =	sadd.s32 s2, s22;
	s21 =	sadd.s32 $0xFFFFFF98, s15;
	[sflag:s13] =	ssyncset.done $0x0  }
0x25: {  	s20 =	smul.u32 $0x8200, s20;
	[sflag:s13] =	ssyncadd.s32 $0xFFFFE600;
	s16 =	ssub.s32 s16, s19  }
0x26: {  	s19 =	smul.u32 $0xCD, s24;
	s16 =	sand.u32 $0xFF, s16  }
0x27: {  	[hbm4b:s22+s3] =	stream.linear.scatter [tilespmem:s11], [sflag:$0x3], $0x1A00, $0x38;
	[tilespmem:$0x7500] =	vst v63  }
0x28: {  	s22 =	smul.u32 $0x1A00, s16;
	_ =	swait.ge [sflag:s8], $0x1A00  }
0x29: {  	p1 =	por p3, p3;
	s16 =	smov.u32 s23;
	[sflag:s8] =	ssyncset.done $0x0  }
0x2a: {  	s19 =	sshrl.u32 s19, $0xA;
	s20 =	sadd.s32 s22, s20;
	[sflag:s8] =	ssyncadd.s32 $0xFFFFE600  }
0x2b: {  	s15 =	sadd.s32 $0xD0, s15;
	s22 =	sand.u32 $0x3F, s19;
	s20 =	sshrl.u32 s20, $0x3  }
0x2c: {  	s19 =	simm.s32 @!p1 $0x4100;
	s23 =	smul.u32 $0x5, s22;
	s25 =	sadd.s32 s2, s20  }
0x2d: {  	[tilespmem:s11], [sflag:$0x2] =	stream.indirect.gather [hbm4b:s4+s9], $0x40, s21, s9, $0xb8;
	[tilespmem:$0x7500] =	vst v63  }
.Ltmp0:
0x2e: {  	s20 =	sadd.s32 s22, s5;
	_ =	swait.ge [sflag:s12], $0x1A00;
	(pc) =	sbr.rel @p2 .LBB2_2-.Ltmp0, $4  }
0x2f: {  	s23 =	ssub.s32 s24, s23;
	s21 =	smul.u32 $0xCD, s16;
	[sflag:s12] =	ssyncset.done $0x0  }
0x30: {  	s22 =	smul.u32 $0x8200, s20;
	s23 =	sand.u32 $0xFF, s23;
	[sflag:s12] =	ssyncadd.s32 $0xFFFFE600  }
0x31: {  	s23 =	smul.u32 $0x1A00, s23;
	s20 =	sshrl.u32 s21, $0xA;
	s21 =	simm.s32 @!p1 $0x68  }
0x32: {  	[hbm4b:s25+s3] =	stream.linear.scatter [tilespmem:s10], [sflag:$0x3], $0x1A00, $0x38;
	[tilespmem:$0x7500] =	vst v63  }
0x33: {  	_ =	swait.ge [sflag:s8], $0x1A00  }
0x34: {  	s18 =	sadd.s32 s23, s22;
	p0 =	por p0, p0;
	[sflag:s8] =	ssyncset.done $0x0  }
0x35: {  	s20 =	sand.u32 $0x3F, s20;
	s22 =	sadd.s32 $0x1, s16;
	[sflag:s8] =	ssyncadd.s32 $0xFFFFE600  }
0x36: {  	[tilespmem:s19], [sflag:$0x1] =	stream.indirect.gather @!p1 [hbm4b:s4+s21], $0x40, s17, s21, $0xb8;
	[tilespmem:$0x7500] =	vst v63  }
0x37: {  	s25 =	sadd.s32 $0xFFFFFF98, s15;
	s18 =	sshrl.u32 s18, $0x3;
	_ =	swait.ge [sflag:s13], $0x1A00  }
0x38: {  	s24 =	smul.u32 $0xCD, s22;
	s18 =	sadd.s32 s2, s18;
	[sflag:s13] =	ssyncset.done $0x0  }
0x39: {  	s21 =	smul.u32 $0x5, s20;
	s17 =	sadd.s32 s20, s5;
	[sflag:s13] =	ssyncadd.s32 $0xFFFFE600  }
0x3a: {  	[hbm4b:s18+s3] =	stream.linear.scatter [tilespmem:s11], [sflag:$0x3], $0x1A00, $0x38;
	[tilespmem:$0x7500] =	vst v63  }
0x3b: {  	s17 =	smul.u32 $0x8200, s17;
	s23 =	ssub.s32 s16, s21;
	_ =	swait.ge [sflag:s8], $0x1A00  }
0x3c: {  	s16 =	sand.u32 $0xFF, s23;
	s18 =	sshrl.u32 s24, $0xA;
	[sflag:s8] =	ssyncset.done $0x0  }
0x3d: {  	s16 =	smul.u32 $0x1A00, s16;
	s26 =	sand.u32 $0x3F, s18;
	[sflag:s8] =	ssyncadd.s32 $0xFFFFE600  }
0x3e: {  	[tilespmem:s11], [sflag:$0x2] =	stream.indirect.gather [hbm4b:s4+s9], $0x40, s25, s9, $0xb8;
	[tilespmem:$0x7500] =	vst v63  }
0x3f: {  	s16 =	sadd.s32 s16, s17;
	s28 =	smul.u32 $0x5, s26;
	_ =	swait.ge [sflag:s12], $0x1A00  }
0x40: {  	p0 =	por p0, p0;
	s16 =	sshrl.u32 s16, $0x3;
	[sflag:s12] =	ssyncset.done $0x0  }
0x41: {  	s16 =	sadd.s32 s2, s16;
	s30 =	ssub.s32 s22, s28;
	[sflag:s12] =	ssyncadd.s32 $0xFFFFE600  }
0x42: {  	[hbm4b:s16+s3] =	stream.linear.scatter [tilespmem:s10], [sflag:$0x3], $0x1A00, $0x38;
	[tilespmem:$0x7500] =	vst v63  }
0x43: {  	s19 =	simm.s32 @!p0 $0x68;
	s17 =	sand.u32 $0xFF, s30;
	_ =	swait.ge [sflag:s8], $0x1A00  }
0x44: {  	s29 =	sadd.s32 s26, s5;
	s17 =	smul.u32 $0x1A00, s17;
	[sflag:s8] =	ssyncset.done $0x0  }
0x45: {  	s18 =	simm.s32 @!p0 $0x4100;
	s16 =	smul.u32 $0x8200, s29;
	[sflag:s8] =	ssyncadd.s32 $0xFFFFE600  }
0x46: {  	[tilespmem:s18], [sflag:$0x1] =	stream.indirect.gather @!p0 [hbm4b:s4+s19], $0x40, s15, s19, $0xb8;
	[tilespmem:$0x7500] =	vst v63  }
0x47: {  	s14 =	sadd.s32 $0x1, s14;
	s31 =	sadd.s32 s17, s16;
	_ =	swait.ge [sflag:s13], $0x1A00  }
0x48: {  	s15 =	sshrl.u32 s31, $0x3;
	p0 =	sne.s32 s14, s7;
	[sflag:s13] =	ssyncset.done $0x0  }
.Ltmp1:
0x49: {  	s15 =	sadd.s32 s2, s15;
	[sflag:s13] =	ssyncadd.s32 $0xFFFFE600;
	(pc) =	sbr.rel @p0 .LBB2_1-.Ltmp1, $4  }
0x4a: {  	[hbm4b:s15+s3] =	stream.linear.scatter [tilespmem:s11], [sflag:$0x3], $0x1A00, $0x38;
	[tilespmem:$0x7500] =	vst v63  }
0x4b: {  	_ =	swait.ge [sflag:s8], $0x1A00  }
0x4c: {  	[sflag:s8] =	ssyncset.done $0x0  }
0x4d: {  	[sflag:s8] =	ssyncadd.s32 $0xFFFFE600  }
0x4e: {  	_ =	sfence.sel $0x180000  }
0x4f: {  	[bflag:$0x0] =	sbarrier.arrive $0xFFFF  }
0x50: {  	p0 =	sne.s32 s0, $0x0;
	_ =	strace $0x90000047  }
0x51: {  	s0 =	sadd.s32 @!p0 $0x100000, s1;
	[bflag:$0x2] =	sbarrier.arrive $0xFFFF  }
0x52: {  	[sflag:s0] =	ssyncadd.tile.s32 @!p0 $0x1;
	_ =	shalt  }
.Lfunc_end2:
_tile_overlayer_lowered:
.L_overlay_start_2:
0x53: {  	(tag) =	ssettag $0x2  }
0x54: {  	s0 =	rddreg [dreg:$0x0];
	s2 =	stileid.u32  }
0x55: {  	s1 =	rddreg [dreg:$0x1];
	p0 =	sne.s32 s2, $0x0  }
0x56: {  	s3 =	rddreg [dreg:$0x2];
	[bflag:$0x3] =	sbarrier.arrive $0xFFFF;
	s2 =	simm.s32 @!p0 $0x1C03  }
0x57: {  	[timem:s3], [sflag:s2] =	dma.local @!p0 [hbm:s0], s1  }
0x58: {  	s0 =	simm.s32 @!p0 $0x3  }
0x59: {  	_ =	swait.ge @!p0 [sflag:s0], s1  }
0x5a: {  	s1 =	ssub.s32 @!p0 $0x0, s1;
	[sflag:s0] =	ssyncset.done @!p0 $0x0  }
0x5b: {  	[sflag:s0] =	ssyncadd.s32 @!p0 s1  }
0x5c: {  	[bflag:$0x3] =	sbarrier.arrive $0xFFFF  }
0x5d: {  	_ =	shalt  }

// kernel: sparse-core-data-format-call.cloned.1.call-start
scs
called_computation_lowered:
.L_overlay_start_0:
0x0: {  	s2 =	sld [smem:$0x3FD9]  }
0x1: {  	s3 =	sld [smem:$0x3FFE];
	_ =	sdelay $0x1  }
0x2: {  	s1 =	srdreg.scid  }
0x3: {  	s0 =	sand.u32 $0x1, s1  }
0x4: {  	s18 =	sshll.u32 s0, $0xA;
	s2 =	sadd.s32 s3, s2  }
0x5: {  	s2 =	sadd.s32 s2, s18  }
0x6: {  	[smem:$0x3FC6] =	sst s2  }
0x7: {  	_ = 	snop  }
0x8: {  	s2 =	sld [smem:$0x3FD0];
	(tm) =	ssettm $0x1  }
0x9: {  	s19 =	sld [smem:$0x3FFB];
	_ =	sdelay $0x3  }
0xa: {  	_ =	strace s19  }
0xb: {  	s3 =	sld [smem:$0x3FFC];
	_ =	sdelay $0x3  }
0xc: {  	_ =	strace s3  }
0xd: {  	s3 =	sld [smem:$0x3FFD];
	_ =	sdelay $0x3  }
0xe: {  	_ =	strace s3  }
0xf: {  	_ =	strace $0x8FFFFFFF  }
0x10: {  	s20 =	sld [smem:$0x3FDB];
	_ =	sdelay $0x1  }
0x11: {  	s4 =	simm.s32 $_scs_section_size  }
0x12: {  	s5 =	simm.s32 $_size__tile_overlayer_lowered;
	s6 =	simm.s32 $_tile_overlayer_lowered  }
0x13: {  	s23 =	simm.s32 $0x1BFF;
	s22 =	sshll.u32 s6, $0x1;
	s3 =	sadd.s32 s4, s20  }
0x14: {  	s7 =	simm.s32 $0x0;
	s21 =	sshll.u32 s5, $0x1;
	s5 =	sadd.s32 s22, s3  }
0x15: {  	[timem:s7], [sflag:s23] =	dma.local [hbm:s5], s21  }
0x16: {  	_ =	swait.ge [sflag:s23], s21  }
0x17: {  	s4 =	ssub.s32 $0x0, s21;
	[sflag:s23] =	ssyncset.done $0x0  }
0x18: {  	[sflag:s23] =	ssyncadd.s32 s4;
	_ =	sdelay $0x1  }
0x19: {  	s24 =	simm.s32 $0x1B8B  }
0x1a: {  	_ =	swait.ge [sflag:s24], $0x1  }
0x1b: {  	[sflag:s24] =	ssyncset.done $0x0  }
0x1c: {  	s26 =	simm.s32 $0x1B8E;
	s25 =	sld [smem:$0x3FFE];
	[sflag:s24] =	ssyncadd.s32 $0xFFFFFFFF  }
0x1d: {  	s27 =	simm.s32 $execute0_lowered;
	[smem:$0x3FD2] =	sst s26  }
0x1e: {  	s5 =	sshll.u32 s27, $0x1;
	_ =	strace $0x80000049;
	[dreg:$0x1] =	wrdreg $0xFFFFFFFF  }
0x1f: {  	s28 =	simm.s32 $_size_execute0_lowered;
	s3 =	sadd.s32 s3, s5;
	[dreg:$0x0] =	wrdreg $0x0  }
0x20: {  	s5 =	sshll.u32 s28, $0x1;
	[dreg:$0x2] =	wrdreg s3  }
0x21: {  	[dreg:$0x3] =	wrdreg s5  }
0x22: {  	[dreg:$0x4] =	wrdreg $0xC0  }
0x23: {  	_ =	task [dreg:s7], $0x5FFFF  }
0x24: {  	[dreg:$0x1] =	wrdreg $0xFFFFFFFF  }
0x25: {  	[dreg:$0x0] =	wrdreg $0x60  }
0x26: {  	[dreg:$0x2] =	wrdreg s25  }
0x27: {  	[dreg:$0x3] =	wrdreg s2  }
0x28: {  	[dreg:$0x4] =	wrdreg $0x9  }
0x29: {  	_ =	task.clear_ibuf [dreg:s7], $0x5FFFF;
	_ =	strace $0x90000049  }
0x2a: {  	s29 =	simm.s32 $0x9;
	_ =	strace $0x8000004B  }
0x2b: {  	_ =	swait.ge [sflag:s29], $0x1  }
0x2c: {  	[sflag:s29] =	ssyncadd.s32 $0xFFFFFFFF  }
0x2d: {  	_ =	strace $0x9000004B  }
0x2e: {  	_ =	sfence  }
0x2f: {  	s30 =	sld [smem:$0x0];
	_ =	sdelay $0x2  }
0x30: {  	s31 =	sshll.u32 s1, $0xD;
	s1 =	sshrl.u32 s1, $0x2  }
0x31: {  	s3 =	sand.u32 $0x4000, s31;
	s1 =	sadd.s32 s1, s30  }
0x32: {  	s0 =	sor.u32 s3, s0;
	s1 =	sshll.u32 s1, $0x11  }
0x33: {  	s0 =	sor.u32 s1, s0  }
0x34: {  	s0 =	sadd.s32 $0x8F2B, s0  }
0x35: {  	[sflag:s0] =	ssyncadd.remote.s32 $0x1  }
0x36: {  	_ =	sfence.sel $0xFFFF  }
0x37: {  	[dreg:$0x0] =	wrdreg $0xFFFFFFFF;
	(pc) =	sbr.abs _section_cstart, $3  }
0x38: {  	[dreg:$0x1] =	wrdreg $0xFFFFFFFF  }
0x39: {  	_ =	task.clear_ibuf [dreg:s7], $0x2FFFF;
	_ =	strace $0x9FFFFFFF  }
0x3a: {  	(tm) =	ssettm $0x7FFFFFFF  }
0x3b: {  	_ =	shalt  }
tec
execute0_lowered:
.L_overlay_start_1:
0x0: {  	(tag) =	ssettag $0x1  }
0x1: {  	s0 =	stileid.u32;
	s6 =	rddreg [dreg:$0x0]  }
0x2: {  	s2 =	rddreg [dreg:$0x1];
	s5 =	srdreg.scid  }
0x3: {  	s31 =	simm.s32 $0x2;
	s13 =	simm.s32 $0x0;
	s1 =	sshll.u32 s0, $0x7  }
0x4: {  	s14 =	simm.s32 $0x0;
	s12 =	simm.s32 $0x0;
	s3 =	sand.u32 $0x380, s1  }
0x5: {  	s5 =	sshll.u32 s5, $0x4;
	s6 =	sadd.s32 $0xE00, s6;
	s4 =	ssub.s32 $0x400, s3  }
0x6: {  	s1 =	rddreg [dreg:$0x2];
	_ =	strace $0x8000004A;
	s7 =	sand.u32 $0x380, s4  }
0x7: {  	s5 =	sand.u32 $0x10, s5;
	p0 =	sne.s32 s7, $0x0;
	s7 =	simm.s32 $0x1  }
.Ltmp0:
0x8: {  	s8 =	sshrl.u32 s4, $0xA;
	s7 =	simm.s32 @!p0 $0x0;
	(pc) =	sbr.rel .LBB1_1-.Ltmp0, $4  }
0x9: {  	s9 =	sor.u32 s0, s5;
	s4 =	simm.s32 $0x1;
	s30 =	sadd.s32 s7, s8  }
0xa: {  	s11 =	smov.u32 s3;
	[sflag:s4] =	ssyncpa.u1 $0x0;
	s5 =	smul.u32 $0x82, s30  }
0xb: {  	[sflag:s31] =	ssyncpa.u1 $0x0;
	p0 =	por $0x0, $0x0;
	s7 =	sshrl.u32 s9, $0x3  }
0xc: {  	s9 =	simm.s32 $0x2000;
	s10 =	smov.u32 s7;
	s8 =	sor.u32 $0x1, s5  }
.LBB1_4:
0xd: {  	s17 =	sand.u32 $0x1F80, s14;
	s13 =	sshll.u32 s13, $0xD  }
0xe: {  	[tilespmem:s16+$0x810 ss:$0x81] =	vst.msk $0xffff, v2;
	s18 =	sshrl.u32 s14, $0x3;
	s31 =	sand.u32 $0x7, s14;
	s17 =	sadd.s32 s2, s17  }
0xf: {  	[tilespmem:s16+$0x1020 ss:$0x81] =	vst.msk $0xffff, v0;
	s18 =	sand.u32 $0xF, s18;
	s14 =	sshll.u32 s31, $0x12;
	s13 =	sadd.s32 s13, s17  }
0x10: {  	[tilespmem:s16+$0x0 ss:$0x81] =	vst.msk $0xffff, v1;
	s14 =	sor.u32 $0x400, s14;
	s13 =	sadd.s32 s18, s13  }
0x11: {  	[hbm4b:s13+s14] =	stream.strided.scatter [tilespmem:s15], [sflag:$0x2], $0x2000, s9, s14, $0x20;
	[tilespmem:$0x8080] =	vst v63  }
.LBB1_5:
0x12: {  	s15 =	sadd.s32 $0x4, s10  }
0x13: {  	s13 =	sadd.s32 $0x400, s11;
	s17 =	smov.u32 s11;
	p2 =	sgt.s32 s15, $0x207  }
0x14: {  	s17 =	smov.u32 @p2 s13  }
0x15: {  	s15 =	smov.u32 @p2 s7;
	p2 =	sgt.s32 s17, $0x3FF  }
0x16: {  	s17 =	smov.u32 @p2 s3;
	p2 =	sne.s32 s12, s8  }
.Ltmp1:
0x17: {  	p1 =	slt.u32 s12, $0x2;
	(pc) =	sbr.rel @!p2 .LBB1_6-.Ltmp1, $4  }
0x18: {  	s16 =	simm.s32 @!p1 $0x2  }
0x19: {  	s14 =	smov.u32 s11;
	p0 =	por !p0, !p0;
	_ =	swait.ge @!p1 [sflag:s16], $0x2000  }
0x1a: {  	s13 =	smov.u32 s10;
	[sflag:s16] =	ssyncset.done @!p1 $0x0;
	s10 =	smov.u32 s15  }
0x1b: {  	s12 =	sadd.s32 $0x1, s12;
	[sflag:s16] =	ssyncadd.s32 @!p1 $0xFFFFE000;
	s11 =	smov.u32 s17  }
.LBB1_1:
0x1c: {  	p1 =	sge.u32 s12, s5  }
0x1d: {  	s15 =	sand.u32 @!p1 $0x1FFFFFF, s10  }
0x1e: {  	s16 =	smulhi.u32 @!p1 $0xFC0FC1, s15;
	_ =	sdelay $0x1  }
0x1f: {  	s16 =	sshrl.u32 @!p1 s16, $0x1  }
0x20: {  	s16 =	smul.u32 @!p1 $0x208, s16  }
0x21: {  	s17 =	sxor.u32 @!p1 $0xFFFFFFFF, s12;
	s18 =	smul.u32 @!p1 $0x2080, s11  }
0x22: {  	s31 =	sadd.s32 $0xFFFFFFFF, s12;
	s17 =	sshll.u32 @!p1 s17, $0xD;
	s15 =	ssub.s32 @!p1 s15, s16  }
0x23: {  	s16 =	sand.u32 @!p1 $0x2000, s17;
	s17 =	sadd.s32 @!p1 s6, s18;
	s15 =	sshll.u32 @!p1 s15, $0x4  }
0x24: {  	s18 =	simm.s32 @!p1 $0x10400;
	s15 =	sadd.s32 @!p1 s15, s17;
	s17 =	simm.s32 @!p1 $0x40  }
0x25: {  	[tilespmem:s16], [sflag:$0x1] =	stream.strided.gather @!p1 [hbm4b:s15+s17], $0x2000, s18, s17, $0x38;
	[tilespmem:$0x8080] =	vst v63  }
0x26: {  	p1 =	sge.u32 s31, s5  }
.Ltmp2:
0x27: {  	_ = 	snop;
	(pc) =	sbr.rel @p1 .LBB1_5-.Ltmp2, $1  }
0x28: {  	_ =	sdelay $0x3  }
0x29: {  	s15 =	simm.s32 $0x1  }
0x2a: {  	_ =	swait.ge [sflag:s4], $0x2000;
	s15 =	simm.s32 @!p0 $0x0  }
0x2b: {  	[sflag:s4] =	ssyncset.done $0x0;
	s16 =	sshll.u32 s15, $0xD  }
0x2c: {  	[sflag:s4] =	ssyncadd.s32 $0xFFFFE000;
	s19 =	sor.u32 $0x20, s16  }
0x2d: {  	s15 =	smul.u32 $0x8100, s15;
	v3 =	vld [tilespmem:s19+$0x10]  }
0x2e: {  	s30 =	sand.u32 $0x1, s12;
	v2 =	vld [tilespmem:s19+$0xFFFFFFF0]  }
0x2f: {  	s16 =	smul.u32 $0x8100, s30;
	s15 =	sshrl.u32 s15, $0x2;
	v0 =	vld [tilespmem:s19+$0x0]  }
0x30: {  	v1 =	vld [tilespmem:s19+$0xFFFFFFE0];
	s17 =	sor.u32 $0x4000, s15  }
0x31: {  	s31 =	sshrl.u32 s16, $0x2;
	s16 =	sadd.s32 $0x0, s17  }
0x32: {  	s18 =	simm.s32 $0x4;
	s19 =	sadd.s32 $0x40, s19;
	s15 =	sor.u32 $0x4000, s31;
	[tilespmem:s16+$0x1830 ss:$0x81] =	vst.msk $0xffff, v3  }
.LBB1_3:
0x33: {  	v3 =	vld [tilespmem:s19+$0x10];
	p1 =	sne.s32 s18, $0x1FC;
	[tilespmem:s16+$0x810 ss:$0x81] =	vst.msk $0xffff, v2;
	s20 =	smov.u32 s18;
	s18 =	sadd.s32 $0x4, s18  }
.Ltmp3:
0x34: {  	v2 =	vld [tilespmem:s19+$0xFFFFFFF0];
	[tilespmem:s16+$0x1020 ss:$0x81] =	vst.msk $0xffff, v0;
	(pc) =	sbr.rel @p1 .LBB1_3-.Ltmp3, $4  }
0x35: {  	v0 =	vld [tilespmem:s19+$0x0];
	[tilespmem:s16+$0x0 ss:$0x81] =	vst.msk $0xffff, v1  }
0x36: {  	s16 =	sshra.s32 s20, $0x2;
	v1 =	vld [tilespmem:s19+$0xFFFFFFE0]  }
0x37: {  	s16 =	sadd.s32 s16, s17  }
0x38: {  	s19 =	sadd.s32 $0x40, s19;
	[tilespmem:s16+$0x1830 ss:$0x81] =	vst.msk $0xffff, v3  }
.Ltmp4:
0x39: {  	_ = 	snop;
	(pc) =	sbr.rel .LBB1_4-.Ltmp4, $1  }
0x3a: {  	_ =	sdelay $0x3  }
.LBB1_6:
0x3b: {  	_ =	sfence.sel $0x180000  }
0x3c: {  	s2 =	simm.s32 $0x1;
	[bflag:$0x0] =	sbarrier.arrive $0xFFFF  }
0x3d: {  	s31 =	simm.s32 $0x2;
	[sflag:s2] =	ssyncpa.u1 $0x1  }
0x3e: {  	[sflag:s31] =	ssyncpa.u1 $0x1  }
0x3f: {  	p0 =	sne.s32 s0, $0x0;
	_ =	strace $0x9000004A  }
0x40: {  	s0 =	sadd.s32 @!p0 $0x100000, s1;
	[bflag:$0x2] =	sbarrier.arrive $0xFFFF  }
0x41: {  	[sflag:s0] =	ssyncadd.tile.s32 @!p0 $0x1;
	_ =	shalt  }
.Lfunc_end1:
_tile_overlayer_lowered:
.L_overlay_start_2:
0x42: {  	(tag) =	ssettag $0x2  }
0x43: {  	s0 =	rddreg [dreg:$0x0];
	s2 =	stileid.u32  }
0x44: {  	s1 =	rddreg [dreg:$0x1];
	p0 =	sne.s32 s2, $0x0  }
0x45: {  	s3 =	rddreg [dreg:$0x2];
	[bflag:$0x3] =	sbarrier.arrive $0xFFFF;
	s2 =	simm.s32 @!p0 $0x1C01  }
0x46: {  	[timem:s3], [sflag:s2] =	dma.local @!p0 [hbm:s0], s1  }
0x47: {  	s0 =	simm.s32 @!p0 $0x1  }
0x48: {  	_ =	swait.ge @!p0 [sflag:s0], s1  }
0x49: {  	s1 =	ssub.s32 @!p0 $0x0, s1;
	[sflag:s0] =	ssyncset.done @!p0 $0x0  }
0x4a: {  	[sflag:s0] =	ssyncadd.s32 @!p0 s1  }
0x4b: {  	[bflag:$0x3] =	sbarrier.arrive $0xFFFF  }
0x4c: {  	_ =	shalt  }

</sc_bundles>
